<compile_context>
chip_gen: v7x
topology: tpu7x:2x2x1
jax: 0.10.2.dev20260603
libtpu: 0.0.44.dev20260713+nightly
codegen_flags: <defaults>
</compile_context>

<pallas_src>
import functools

import jax
import jax.numpy as jnp
from jax import lax
from jax.experimental import pallas as pl
from jax.experimental.pallas import tpu as pltpu
from jax.experimental.pallas import tpu_sc as plsc

_LANES = 16
_CHUNK = 8192


@functools.lru_cache(maxsize=None)
def _build(n, q):
    info = plsc.get_sparse_core_info()
    nc, ns = info.num_cores, info.num_subcores
    nw = nc * ns
    qw = -(-q // nw)
    qw = -(-qw // 8) * 8
    assert qw <= q
    nchunk = -(-qw // _CHUNK)
    mesh = plsc.VectorSubcoreMesh(core_axis_name="c", subcore_axis_name="s")

    @functools.partial(
        pl.kernel,
        mesh=mesh,
        out_type=jax.ShapeDtypeStruct((q,), jnp.float32),
        scratch_types=[
            pltpu.VMEM((_CHUNK,), jnp.int32),
            pltpu.VMEM((_CHUNK,), jnp.int32),
            pltpu.VMEM((_CHUNK,), jnp.float32),
            pltpu.VMEM((_CHUNK,), jnp.float32),
            pltpu.SemaphoreType.DMA,
            pltpu.SemaphoreType.DMA,
        ],
    )
    def k(x_hbm, y_hbm, ii_hbm, jj_hbm, out_hbm, ii_v, jj_v, xv, yv,
          sem_x, sem_y):
        wid = lax.axis_index("s") * nc + lax.axis_index("c")
        base = jnp.minimum(wid * qw, q - qw)
        hi = jnp.minimum(base + qw, q) - _CHUNK

        def chunk_body(c, carry):
            off = jnp.minimum(base + c * _CHUNK, hi)
            off = pl.multiple_of(off, 8)
            pltpu.sync_copy(ii_hbm.at[pl.ds(off, _CHUNK)], ii_v)
            pltpu.sync_copy(jj_hbm.at[pl.ds(off, _CHUNK)], jj_v)
            cx = pltpu.async_copy(x_hbm.at[ii_v], xv, sem_x)
            cy = pltpu.async_copy(y_hbm.at[jj_v], yv, sem_y)
            cx.wait()
            cy.wait()

            def mul_body(i, mcarry):
                s = pl.ds(i * _LANES, _LANES)
                xv[s] = xv[s] * yv[s]
                return mcarry

            lax.fori_loop(0, _CHUNK // _LANES, mul_body, 0, unroll=8)
            pltpu.sync_copy(xv, out_hbm.at[pl.ds(off, _CHUNK)])
            return carry

        lax.fori_loop(0, nchunk, chunk_body, 0)

    return k


def kernel(x, y, idx_i, idx_j):
    n = x.shape[0]
    q = idx_i.shape[0]
    return _build(n, q)(x, y, idx_i, idx_j)

# --- scband reference (transcript-rebuilt; emitter-appended) ---
"""Pipeline reference for scband-lazy-outer-40183714021392 (READ-ONLY COPY).

The authoritative reference and input builder live on the scoring server;
editing this copy changes nothing except your own understanding.
"""

import jax, jax.numpy as jnp
import numpy as np

N = 1_000_000
Q = 4_000_000

def setup_inputs(seed: int = 0) -> dict:
    key = jax.random.key(seed)
    k1, k2, k3, k4 = jax.random.split(key, 4)
    x = jax.random.normal(k1, (N,), dtype=jnp.float32)
    y = jax.random.normal(k2, (N,), dtype=jnp.float32)
    idx_i = jax.random.randint(k3, (Q,), 0, N, dtype=jnp.int32)
    idx_j = jax.random.randint(k4, (Q,), 0, N, dtype=jnp.int32)
    return {"x": x, "y": y, "idx_i": idx_i, "idx_j": idx_j}

def reference(x, y, idx_i, idx_j):
    # LazyOuter(x, y, op=jnp.multiply)[idx_i, idx_j]
    # Both indices are broadcastable 1D integer arrays of the same shape, so the
    # module computes op(self.x[i1], self.y[i2]) elementwise (fancy-index path):
    #   two gathers followed by an elementwise multiply.
    return jnp.multiply(jnp.take(x, idx_i, axis=0), jnp.take(y, idx_j, axis=0))

if __name__ == "__main__":
    import jax
    _d = setup_inputs()
    print(jax.jit(kernel)(*tuple(_d.values())))

</pallas_src>

<mosaic_0001>
#map = affine_map<(d0, d1) -> (0)>
module attributes {stable_mosaic.version = 14 : i64} {
  func.func @k(%arg0: i32, %arg1: i32, %arg2: memref<1000000xf32, #tpu.memory_space<hbm>>, %arg3: memref<1000000xf32, #tpu.memory_space<hbm>>, %arg4: memref<4000000xi32, #tpu.memory_space<hbm>>, %arg5: memref<4000000xi32, #tpu.memory_space<hbm>>, %arg6: memref<4000000xf32, #tpu.memory_space<hbm>>, %arg7: memref<8192xi32, #tpu.memory_space<vmem>>, %arg8: memref<8192xi32, #tpu.memory_space<vmem>>, %arg9: memref<8192xf32, #tpu.memory_space<vmem>>, %arg10: memref<8192xf32, #tpu.memory_space<vmem>>, %arg11: memref<!tpu.dma_semaphore, #tpu.memory_space<semaphore_mem>>, %arg12: memref<!tpu.dma_semaphore, #tpu.memory_space<semaphore_mem>>) attributes {dimension_semantics = [#tpu.dimension_semantics<core_parallel>, #tpu.dimension_semantics<subcore_parallel>], iteration_bounds = array<i64: 2, 16>, scalar_prefetch = 0 : i64, scratch_operands = 6 : i64, tpu.core_type = #tpu.core_type<sc_vector_subcore>, window_params = [{transform_indices = #map}, {transform_indices = #map}, {transform_indices = #map}, {transform_indices = #map}, {transform_indices = #map}]} {
    %mul3A = arith.constant 2 : i32
    %mul3A_0 = arith.muli %arg1, %mul3A : i32
    %add3A = arith.addi %mul3A_0, %arg0 : i32
    %mul3A_1 = arith.constant 125000 : i32
    %mul3A_2 = arith.muli %add3A, %mul3A_1 : i32
    %min3A = arith.constant 3875000 : i32
    %min3A_3 = arith.minsi %mul3A_2, %min3A : i32
    %add3A_4 = arith.constant 125000 : i32
    %add3A_5 = arith.addi %min3A_3, %add3A_4 : i32
    %min3A_6 = arith.constant 4000000 : i32
    %min3A_7 = arith.minsi %add3A_5, %min3A_6 : i32
    %sub3A = arith.constant 8192 : i32
    %sub3A_8 = arith.subi %min3A_7, %sub3A : i32
    %scan3A = arith.constant 0 : i32
    %scan3A_9 = arith.constant 0 : i32
    %scan3A_10 = arith.constant 16 : i32
    %scan3A_11 = arith.addi %scan3A_9, %scan3A_10 : i32
    %scan3A_12 = arith.constant 1 : i32
    scf.for %scan3A_14 = %scan3A_9 to %scan3A_11 step %scan3A_12  : i32 {
      %mul3A_15 = arith.constant 8192 : i32
      %mul3A_16 = arith.muli %scan3A_14, %mul3A_15 : i32
      %add3A_17 = arith.addi %min3A_3, %mul3A_16 : i32
      %min3A_18 = arith.minsi %add3A_17, %sub3A_8 : i32
      %multiple_of3A = tpu.assume_multiple %min3A_18, 8 : i32
      "tpu.region"() ({
        %run_scoped3A = tpu.sem_alloc : memref<!tpu.dma_semaphore, #tpu.memory_space<semaphore_mem>>
        %dma_start3A_31 = tpu.memref_slice %arg4[%multiple_of3A] : memref<4000000xi32, #tpu.memory_space<hbm>> -> memref<8192xi32, #tpu.memory_space<hbm>>
        %dma_start3A_32 = tpu.memref_slice %arg4[%multiple_of3A] : memref<4000000xi32, #tpu.memory_space<hbm>> -> memref<8192xi32, #tpu.memory_space<hbm>>
        tpu.enqueue_dma source(%dma_start3A_32 : memref<8192xi32, #tpu.memory_space<hbm>>) target(%arg7 : memref<8192xi32, #tpu.memory_space<vmem>>) target_semaphore(%run_scoped3A : memref<!tpu.dma_semaphore, #tpu.memory_space<semaphore_mem>>)
        %dma_wait3A_33 = tpu.memref_slice %arg4[%multiple_of3A] : memref<4000000xi32, #tpu.memory_space<hbm>> -> memref<8192xi32, #tpu.memory_space<hbm>>
        %dma_wait3A_34 = tpu.memref_slice %arg4[%multiple_of3A] : memref<4000000xi32, #tpu.memory_space<hbm>> -> memref<8192xi32, #tpu.memory_space<hbm>>
        tpu.wait_dma2 semaphore(%run_scoped3A : memref<!tpu.dma_semaphore, #tpu.memory_space<semaphore_mem>>) src(%dma_wait3A_34 : memref<8192xi32, #tpu.memory_space<hbm>>) dst(%arg7 : memref<8192xi32, #tpu.memory_space<vmem>>)
        tpu.yield
      }) : () -> ()
      "tpu.region"() ({
        %run_scoped3A = tpu.sem_alloc : memref<!tpu.dma_semaphore, #tpu.memory_space<semaphore_mem>>
        %dma_start3A_31 = tpu.memref_slice %arg5[%multiple_of3A] : memref<4000000xi32, #tpu.memory_space<hbm>> -> memref<8192xi32, #tpu.memory_space<hbm>>
        %dma_start3A_32 = tpu.memref_slice %arg5[%multiple_of3A] : memref<4000000xi32, #tpu.memory_space<hbm>> -> memref<8192xi32, #tpu.memory_space<hbm>>
        tpu.enqueue_dma source(%dma_start3A_32 : memref<8192xi32, #tpu.memory_space<hbm>>) target(%arg8 : memref<8192xi32, #tpu.memory_space<vmem>>) target_semaphore(%run_scoped3A : memref<!tpu.dma_semaphore, #tpu.memory_space<semaphore_mem>>)
        %dma_wait3A_33 = tpu.memref_slice %arg5[%multiple_of3A] : memref<4000000xi32, #tpu.memory_space<hbm>> -> memref<8192xi32, #tpu.memory_space<hbm>>
        %dma_wait3A_34 = tpu.memref_slice %arg5[%multiple_of3A] : memref<4000000xi32, #tpu.memory_space<hbm>> -> memref<8192xi32, #tpu.memory_space<hbm>>
        tpu.wait_dma2 semaphore(%run_scoped3A : memref<!tpu.dma_semaphore, #tpu.memory_space<semaphore_mem>>) src(%dma_wait3A_34 : memref<8192xi32, #tpu.memory_space<hbm>>) dst(%arg8 : memref<8192xi32, #tpu.memory_space<vmem>>)
        tpu.yield
      }) : () -> ()
      %dma_start3A = arith.constant 0 : i32
      %dma_start3A_19 = tpu.memref_slice %arg2[%dma_start3A] : memref<1000000xf32, #tpu.memory_space<hbm>> -> memref<1000000xf32, #tpu.memory_space<hbm>>
      tpu.enqueue_indirect_dma source(%dma_start3A_19 : memref<1000000xf32, #tpu.memory_space<hbm>>) target(%arg9 : memref<8192xf32, #tpu.memory_space<vmem>>) offsets(%arg7 : memref<8192xi32, #tpu.memory_space<vmem>>) semaphore(%arg11 : memref<!tpu.dma_semaphore, #tpu.memory_space<semaphore_mem>>)
      %dma_start3A_20 = arith.constant 0 : i32
      %dma_start3A_21 = tpu.memref_slice %arg3[%dma_start3A_20] : memref<1000000xf32, #tpu.memory_space<hbm>> -> memref<1000000xf32, #tpu.memory_space<hbm>>
      tpu.enqueue_indirect_dma source(%dma_start3A_21 : memref<1000000xf32, #tpu.memory_space<hbm>>) target(%arg10 : memref<8192xf32, #tpu.memory_space<vmem>>) offsets(%arg8 : memref<8192xi32, #tpu.memory_space<vmem>>) semaphore(%arg12 : memref<!tpu.dma_semaphore, #tpu.memory_space<semaphore_mem>>)
      %dma_wait3A = arith.constant 0 : i32
      %dma_wait3A_22 = tpu.memref_slice %arg2[%dma_wait3A] : memref<1000000xf32, #tpu.memory_space<hbm>> -> memref<1000000xf32, #tpu.memory_space<hbm>>
      tpu.wait_indirect_dma semaphore(%arg11 : memref<!tpu.dma_semaphore, #tpu.memory_space<semaphore_mem>>) src(%dma_wait3A_22 : memref<1000000xf32, #tpu.memory_space<hbm>>) dst(%arg9 : memref<8192xf32, #tpu.memory_space<vmem>>)
      %dma_wait3A_23 = arith.constant 0 : i32
      %dma_wait3A_24 = tpu.memref_slice %arg3[%dma_wait3A_23] : memref<1000000xf32, #tpu.memory_space<hbm>> -> memref<1000000xf32, #tpu.memory_space<hbm>>
      tpu.wait_indirect_dma semaphore(%arg12 : memref<!tpu.dma_semaphore, #tpu.memory_space<semaphore_mem>>) src(%dma_wait3A_24 : memref<1000000xf32, #tpu.memory_space<hbm>>) dst(%arg10 : memref<8192xf32, #tpu.memory_space<vmem>>)
      %scan3A_25 = arith.constant 0 : i32
      %scan3A_26 = arith.constant 0 : i32
      %scan3A_27 = arith.constant 512 : i32
      %scan3A_28 = arith.addi %scan3A_26, %scan3A_27 : i32
      %scan3A_29 = arith.constant 8 : i32
      scf.for %scan3A_31 = %scan3A_26 to %scan3A_28 step %scan3A_29  : i32 {
        %mul3A_32 = arith.constant 16 : i32
        %mul3A_33 = arith.muli %scan3A_31, %mul3A_32 : i32
        %get3A = arith.index_cast %mul3A_33 : i32 to index
        %get3A_34 = tpu.vector_load %arg9[%get3A] {strides = array<i32>} : memref<8192xf32, #tpu.memory_space<vmem>>, vector<16xf32>,
        %get3A_35 = vector.shape_cast %get3A_34 : vector<16xf32> to vector<16xf32>
        %get3A_36 = arith.index_cast %mul3A_33 : i32 to index
        %get3A_37 = tpu.vector_load %arg10[%get3A_36] {strides = array<i32>} : memref<8192xf32, #tpu.memory_space<vmem>>, vector<16xf32>,
        %get3A_38 = vector.shape_cast %get3A_37 : vector<16xf32> to vector<16xf32>
        %mul3A_39 = arith.mulf %get3A_35, %get3A_38 : vector<16xf32>
        %swap3A = arith.index_cast %mul3A_33 : i32 to index
        %swap3A_40 = tpu.vector_load %arg9[%swap3A] {strides = array<i32>} : memref<8192xf32, #tpu.memory_space<vmem>>, vector<16xf32>,
        %swap3A_41 = vector.shape_cast %swap3A_40 : vector<16xf32> to vector<16xf32>
        %swap3A_42 = vector.shape_cast %mul3A_39 : vector<16xf32> to vector<16xf32>
        tpu.vector_store %arg9[%swap3A], %swap3A_42 {strides = array<i32>} : memref<8192xf32, #tpu.memory_space<vmem>>, vector<16xf32>,
        %scan3A_43 = arith.constant 1 : i32
        %scan3A_44 = arith.addi %scan3A_31, %scan3A_43 : i32
        %mul3A_45 = arith.constant 16 : i32
        %mul3A_46 = arith.muli %scan3A_44, %mul3A_45 : i32
        %get3A_47 = arith.index_cast %mul3A_46 : i32 to index
        %get3A_48 = tpu.vector_load %arg9[%get3A_47] {strides = array<i32>} : memref<8192xf32, #tpu.memory_space<vmem>>, vector<16xf32>,
        %get3A_49 = vector.shape_cast %get3A_48 : vector<16xf32> to vector<16xf32>
        %get3A_50 = arith.index_cast %mul3A_46 : i32 to index
        %get3A_51 = tpu.vector_load %arg10[%get3A_50] {strides = array<i32>} : memref<8192xf32, #tpu.memory_space<vmem>>, vector<16xf32>,
        %get3A_52 = vector.shape_cast %get3A_51 : vector<16xf32> to vector<16xf32>
        %mul3A_53 = arith.mulf %get3A_49, %get3A_52 : vector<16xf32>
        %swap3A_54 = arith.index_cast %mul3A_46 : i32 to index
        %swap3A_55 = tpu.vector_load %arg9[%swap3A_54] {strides = array<i32>} : memref<8192xf32, #tpu.memory_space<vmem>>, vector<16xf32>,
        %swap3A_56 = vector.shape_cast %swap3A_55 : vector<16xf32> to vector<16xf32>
        %swap3A_57 = vector.shape_cast %mul3A_53 : vector<16xf32> to vector<16xf32>
        tpu.vector_store %arg9[%swap3A_54], %swap3A_57 {strides = array<i32>} : memref<8192xf32, #tpu.memory_space<vmem>>, vector<16xf32>,
        %scan3A_58 = arith.constant 2 : i32
        %scan3A_59 = arith.addi %scan3A_31, %scan3A_58 : i32
        %mul3A_60 = arith.constant 16 : i32
        %mul3A_61 = arith.muli %scan3A_59, %mul3A_60 : i32
        %get3A_62 = arith.index_cast %mul3A_61 : i32 to index
        %get3A_63 = tpu.vector_load %arg9[%get3A_62] {strides = array<i32>} : memref<8192xf32, #tpu.memory_space<vmem>>, vector<16xf32>,
        %get3A_64 = vector.shape_cast %get3A_63 : vector<16xf32> to vector<16xf32>
        %get3A_65 = arith.index_cast %mul3A_61 : i32 to index
        %get3A_66 = tpu.vector_load %arg10[%get3A_65] {strides = array<i32>} : memref<8192xf32, #tpu.memory_space<vmem>>, vector<16xf32>,
        %get3A_67 = vector.shape_cast %get3A_66 : vector<16xf32> to vector<16xf32>
        %mul3A_68 = arith.mulf %get3A_64, %get3A_67 : vector<16xf32>
        %swap3A_69 = arith.index_cast %mul3A_61 : i32 to index
        %swap3A_70 = tpu.vector_load %arg9[%swap3A_69] {strides = array<i32>} : memref<8192xf32, #tpu.memory_space<vmem>>, vector<16xf32>,
        %swap3A_71 = vector.shape_cast %swap3A_70 : vector<16xf32> to vector<16xf32>
        %swap3A_72 = vector.shape_cast %mul3A_68 : vector<16xf32> to vector<16xf32>
        tpu.vector_store %arg9[%swap3A_69], %swap3A_72 {strides = array<i32>} : memref<8192xf32, #tpu.memory_space<vmem>>, vector<16xf32>,
        %scan3A_73 = arith.constant 3 : i32
        %scan3A_74 = arith.addi %scan3A_31, %scan3A_73 : i32
        %mul3A_75 = arith.constant 16 : i32
        %mul3A_76 = arith.muli %scan3A_74, %mul3A_75 : i32
        %get3A_77 = arith.index_cast %mul3A_76 : i32 to index
        %get3A_78 = tpu.vector_load %arg9[%get3A_77] {strides = array<i32>} : memref<8192xf32, #tpu.memory_space<vmem>>, vector<16xf32>,
        %get3A_79 = vector.shape_cast %get3A_78 : vector<16xf32> to vector<16xf32>
        %get3A_80 = arith.index_cast %mul3A_76 : i32 to index
        %get3A_81 = tpu.vector_load %arg10[%get3A_80] {strides = array<i32>} : memref<8192xf32, #tpu.memory_space<vmem>>, vector<16xf32>,
        %get3A_82 = vector.shape_cast %get3A_81 : vector<16xf32> to vector<16xf32>
        %mul3A_83 = arith.mulf %get3A_79, %get3A_82 : vector<16xf32>
        %swap3A_84 = arith.index_cast %mul3A_76 : i32 to index
        %swap3A_85 = tpu.vector_load %arg9[%swap3A_84] {strides = array<i32>} : memref<8192xf32, #tpu.memory_space<vmem>>, vector<16xf32>,
        %swap3A_86 = vector.shape_cast %swap3A_85 : vector<16xf32> to vector<16xf32>
        %swap3A_87 = vector.shape_cast %mul3A_83 : vector<16xf32> to vector<16xf32>
        tpu.vector_store %arg9[%swap3A_84], %swap3A_87 {strides = array<i32>} : memref<8192xf32, #tpu.memory_space<vmem>>, vector<16xf32>,
        %scan3A_88 = arith.constant 4 : i32
        %scan3A_89 = arith.addi %scan3A_31, %scan3A_88 : i32
        %mul3A_90 = arith.constant 16 : i32
        %mul3A_91 = arith.muli %scan3A_89, %mul3A_90 : i32
        %get3A_92 = arith.index_cast %mul3A_91 : i32 to index
        %get3A_93 = tpu.vector_load %arg9[%get3A_92] {strides = array<i32>} : memref<8192xf32, #tpu.memory_space<vmem>>, vector<16xf32>,
        %get3A_94 = vector.shape_cast %get3A_93 : vector<16xf32> to vector<16xf32>
        %get3A_95 = arith.index_cast %mul3A_91 : i32 to index
        %get3A_96 = tpu.vector_load %arg10[%get3A_95] {strides = array<i32>} : memref<8192xf32, #tpu.memory_space<vmem>>, vector<16xf32>,
        %get3A_97 = vector.shape_cast %get3A_96 : vector<16xf32> to vector<16xf32>
        %mul3A_98 = arith.mulf %get3A_94, %get3A_97 : vector<16xf32>
        %swap3A_99 = arith.index_cast %mul3A_91 : i32 to index
        %swap3A_100 = tpu.vector_load %arg9[%swap3A_99] {strides = array<i32>} : memref<8192xf32, #tpu.memory_space<vmem>>, vector<16xf32>,
        %swap3A_101 = vector.shape_cast %swap3A_100 : vector<16xf32> to vector<16xf32>
        %swap3A_102 = vector.shape_cast %mul3A_98 : vector<16xf32> to vector<16xf32>
        tpu.vector_store %arg9[%swap3A_99], %swap3A_102 {strides = array<i32>} : memref<8192xf32, #tpu.memory_space<vmem>>, vector<16xf32>,
        %scan3A_103 = arith.constant 5 : i32
        %scan3A_104 = arith.addi %scan3A_31, %scan3A_103 : i32
        %mul3A_105 = arith.constant 16 : i32
        %mul3A_106 = arith.muli %scan3A_104, %mul3A_105 : i32
        %get3A_107 = arith.index_cast %mul3A_106 : i32 to index
        %get3A_108 = tpu.vector_load %arg9[%get3A_107] {strides = array<i32>} : memref<8192xf32, #tpu.memory_space<vmem>>, vector<16xf32>,
        %get3A_109 = vector.shape_cast %get3A_108 : vector<16xf32> to vector<16xf32>
        %get3A_110 = arith.index_cast %mul3A_106 : i32 to index
        %get3A_111 = tpu.vector_load %arg10[%get3A_110] {strides = array<i32>} : memref<8192xf32, #tpu.memory_space<vmem>>, vector<16xf32>,
        %get3A_112 = vector.shape_cast %get3A_111 : vector<16xf32> to vector<16xf32>
        %mul3A_113 = arith.mulf %get3A_109, %get3A_112 : vector<16xf32>
        %swap3A_114 = arith.index_cast %mul3A_106 : i32 to index
        %swap3A_115 = tpu.vector_load %arg9[%swap3A_114] {strides = array<i32>} : memref<8192xf32, #tpu.memory_space<vmem>>, vector<16xf32>,
        %swap3A_116 = vector.shape_cast %swap3A_115 : vector<16xf32> to vector<16xf32>
        %swap3A_117 = vector.shape_cast %mul3A_113 : vector<16xf32> to vector<16xf32>
        tpu.vector_store %arg9[%swap3A_114], %swap3A_117 {strides = array<i32>} : memref<8192xf32, #tpu.memory_space<vmem>>, vector<16xf32>,
        %scan3A_118 = arith.constant 6 : i32
        %scan3A_119 = arith.addi %scan3A_31, %scan3A_118 : i32
        %mul3A_120 = arith.constant 16 : i32
        %mul3A_121 = arith.muli %scan3A_119, %mul3A_120 : i32
        %get3A_122 = arith.index_cast %mul3A_121 : i32 to index
        %get3A_123 = tpu.vector_load %arg9[%get3A_122] {strides = array<i32>} : memref<8192xf32, #tpu.memory_space<vmem>>, vector<16xf32>,
        %get3A_124 = vector.shape_cast %get3A_123 : vector<16xf32> to vector<16xf32>
        %get3A_125 = arith.index_cast %mul3A_121 : i32 to index
        %get3A_126 = tpu.vector_load %arg10[%get3A_125] {strides = array<i32>} : memref<8192xf32, #tpu.memory_space<vmem>>, vector<16xf32>,
        %get3A_127 = vector.shape_cast %get3A_126 : vector<16xf32> to vector<16xf32>
        %mul3A_128 = arith.mulf %get3A_124, %get3A_127 : vector<16xf32>
        %swap3A_129 = arith.index_cast %mul3A_121 : i32 to index
        %swap3A_130 = tpu.vector_load %arg9[%swap3A_129] {strides = array<i32>} : memref<8192xf32, #tpu.memory_space<vmem>>, vector<16xf32>,
        %swap3A_131 = vector.shape_cast %swap3A_130 : vector<16xf32> to vector<16xf32>
        %swap3A_132 = vector.shape_cast %mul3A_128 : vector<16xf32> to vector<16xf32>
        tpu.vector_store %arg9[%swap3A_129], %swap3A_132 {strides = array<i32>} : memref<8192xf32, #tpu.memory_space<vmem>>, vector<16xf32>,
        %scan3A_133 = arith.constant 7 : i32
        %scan3A_134 = arith.addi %scan3A_31, %scan3A_133 : i32
        %mul3A_135 = arith.constant 16 : i32
        %mul3A_136 = arith.muli %scan3A_134, %mul3A_135 : i32
        %get3A_137 = arith.index_cast %mul3A_136 : i32 to index
        %get3A_138 = tpu.vector_load %arg9[%get3A_137] {strides = array<i32>} : memref<8192xf32, #tpu.memory_space<vmem>>, vector<16xf32>,
        %get3A_139 = vector.shape_cast %get3A_138 : vector<16xf32> to vector<16xf32>
        %get3A_140 = arith.index_cast %mul3A_136 : i32 to index
        %get3A_141 = tpu.vector_load %arg10[%get3A_140] {strides = array<i32>} : memref<8192xf32, #tpu.memory_space<vmem>>, vector<16xf32>,
        %get3A_142 = vector.shape_cast %get3A_141 : vector<16xf32> to vector<16xf32>
        %mul3A_143 = arith.mulf %get3A_139, %get3A_142 : vector<16xf32>
        %swap3A_144 = arith.index_cast %mul3A_136 : i32 to index
        %swap3A_145 = tpu.vector_load %arg9[%swap3A_144] {strides = array<i32>} : memref<8192xf32, #tpu.memory_space<vmem>>, vector<16xf32>,
        %swap3A_146 = vector.shape_cast %swap3A_145 : vector<16xf32> to vector<16xf32>
        %swap3A_147 = vector.shape_cast %mul3A_143 : vector<16xf32> to vector<16xf32>
        tpu.vector_store %arg9[%swap3A_144], %swap3A_147 {strides = array<i32>} : memref<8192xf32, #tpu.memory_space<vmem>>, vector<16xf32>,
      }
      %scan3A_30 = arith.constant 512 : i32
      "tpu.region"() ({
        %run_scoped3A = tpu.sem_alloc : memref<!tpu.dma_semaphore, #tpu.memory_space<semaphore_mem>>
        %dma_start3A_31 = tpu.memref_slice %arg6[%multiple_of3A] : memref<4000000xf32, #tpu.memory_space<hbm>> -> memref<8192xf32, #tpu.memory_space<hbm>>
        %dma_start3A_32 = tpu.memref_slice %arg6[%multiple_of3A] : memref<4000000xf32, #tpu.memory_space<hbm>> -> memref<8192xf32, #tpu.memory_space<hbm>>
        tpu.enqueue_dma source(%arg9 : memref<8192xf32, #tpu.memory_space<vmem>>) target(%dma_start3A_32 : memref<8192xf32, #tpu.memory_space<hbm>>) target_semaphore(%run_scoped3A : memref<!tpu.dma_semaphore, #tpu.memory_space<semaphore_mem>>)
        %dma_wait3A_33 = tpu.memref_slice %arg6[%multiple_of3A] : memref<4000000xf32, #tpu.memory_space<hbm>> -> memref<8192xf32, #tpu.memory_space<hbm>>
        %dma_wait3A_34 = tpu.memref_slice %arg6[%multiple_of3A] : memref<4000000xf32, #tpu.memory_space<hbm>> -> memref<8192xf32, #tpu.memory_space<hbm>>
        tpu.wait_dma2 semaphore(%run_scoped3A : memref<!tpu.dma_semaphore, #tpu.memory_space<semaphore_mem>>) src(%arg9 : memref<8192xf32, #tpu.memory_space<vmem>>) dst(%dma_wait3A_34 : memref<8192xf32, #tpu.memory_space<hbm>>)
        tpu.yield
      }) : () -> ()
    }
    %scan3A_13 = arith.constant 16 : i32
    return
  }
}

</mosaic_0001>

<sc_bundles>
// kernel: kernel.3.cloned.1.call-start
scs
__scs_entry_jumppad:
0x0: {  	(pc) =	sbr.rel $0x88, $3  }
0x1: {  	(tag) =	ssettag $0x0;
	lr =	simm.s32 $0x1  }
0x2: {  	[smem:$0x3F9D] =	sst lr;
	_ =	strace $0xD0000000  }
0x3: {  	_ = 	snop  }
0x4: {  	_ = 	snop  }
0x5: {  	_ = 	snop  }
0x6: {  	_ = 	snop  }
0x7: {  	_ = 	snop  }
__scs_overlays_trampoline_lowered:
0x8: {  	[smem:$0x3FAC] =	sst s0  }
0x9: {  	[smem:$0x3FAD] =	sst s1  }
0xa: {  	[smem:$0x3FAE] =	sst s2  }
0xb: {  	[smem:$0x3FAF] =	sst s3  }
0xc: {  	[smem:$0x3FB0] =	sst s4  }
0xd: {  	[smem:$0x3FB1] =	sst s5  }
0xe: {  	[smem:$0x3FB2] =	sst s6  }
0xf: {  	[smem:$0x3FB3] =	sst s7  }
0x10: {  	[smem:$0x3FB4] =	sst s8  }
0x11: {  	[smem:$0x3FB5] =	sst s9;
	s0 =	simm.s32 @!p0 $0x0  }
0x12: {  	s1 =	sld [smem:$0x3F9B];
	s0 =	simm.s32 @p0 $0x1  }
0x13: {  	[smem:$0x3FB6] =	sst s0;
	s0 =	simm.s32 @!p1 $0x0  }
0x14: {  	s2 =	sld [smem:$0x3F9A];
	s0 =	simm.s32 @p1 $0x1  }
0x15: {  	[smem:$0x3FB7] =	sst s0;
	s0 =	simm.s32 @!p2 $0x0  }
0x16: {  	s3 =	sld [smem:$0x3FDB];
	s0 =	simm.s32 @p2 $0x1  }
0x17: {  	s4 =	simm.s32 $0x1BF5;
	[smem:$0x3FB9] =	sst s0  }
0x18: {  	s0 =	sld [smem:$0x3F9C];
	_ =	swait.ge [sflag:s4], $0x0  }
0x19: {  	s7 =	sld [smem:$0x3F9D]  }
0x1a: {  	s8 =	sadd.s32 $0xFFFFE003, lr  }
0x1b: {  	s9 =	sadd.s32 $0xFFFFFEF7, lr;
	s5 =	simm.s32 $0xFFFFFFFF;
	p2 =	slt.u32 s8, $0xFFFFF086  }
0x1c: {  	p1 =	slt.u32 s9, $0xF7A;
	s5 =	simm.s32 @!p2 $0x0  }
0x1d: {  	s5 =	simm.s32 @p1 $0x1;
	p0 =	seq.s32 s7, s2  }
0x1e: {  	s7 =	smul.u32 @!p0 $0xF7A, s2;
	p2 =	seq.s32 @!p0 s5, $0x0  }
0x1f: {  	s9 =	smul.u32 $0xF7A, s1;
	s8 =	simm.s32 @!p0 $0x1BF5;
	p2 =	por !p2, p0  }
0x20: {  	[sflag:s8] =	ssyncset.s32 @!p0 $0xFFFFF086;
	s6 =	sadd.s32 @!p0 s3, s7;
	s7 =	simm.s32 @!p0 $0x108  }
0x21: {  	s3 =	sadd.s32 s3, s9;
	s6 =	sadd.s32 @!p0 $0x88, s6;
	s7 =	simm.s32 @p2 $0x1082  }
0x22: {  	[simem:s7], [sflag:s8] =	dma.local @!p0 [hbm:s6], $0xF7A  }
0x23: {  	s9 =	sor.u32 $0xD0000000, s2;
	s6 =	simm.s32 $0x108;
	_ =	swait.ge @!p0 [sflag:s8], $0x0  }
0x24: {  	s3 =	sadd.s32 $0x88, s3;
	s6 =	simm.s32 @!p1 $0x1082;
	[sflag:s4] =	ssyncset.s32 $0xFFFFF086  }
0x25: {  	[simem:s6], [sflag:s4] =	dma.local [hbm:s3], $0xF7A  }
0x26: {  	[smem:$0x3F9D] =	sst s1;
	(tag) =	ssettag s2;
	_ =	strace s9  }
0x27: {  	s1 =	sld [smem:$0x3FAD]  }
0x28: {  	s2 =	sld [smem:$0x3FAE]  }
0x29: {  	s4 =	sld [smem:$0x3FB0]  }
0x2a: {  	p0 =	seq.s32 s5, $0x0;
	s5 =	sld [smem:$0x3FB1]  }
0x2b: {  	s6 =	sld [smem:$0x3FB2]  }
0x2c: {  	s7 =	sld [smem:$0x3FB3]  }
0x2d: {  	s3 =	simm.s32 $0x108;
	s8 =	sld [smem:$0x3FB4]  }
0x2e: {  	s3 =	simm.s32 @!p0 $0x1082;
	s9 =	sld [smem:$0x3FB5]  }
0x2f: {  	lr =	sadd.s32 s0, s3;
	s0 =	sld [smem:$0x3FAC]  }
0x30: {  	s3 =	sld [smem:$0x3FAF]  }
0x31: {  	[smem:$0x3FB8] =	sst s10  }
0x32: {  	s10 =	sld [smem:$0x3FB6];
	_ =	sdelay $0x3  }
0x33: {  	p0 =	seq.s32 s10, $0x1;
	s10 =	sld [smem:$0x3FB8];
	_ =	sdelay $0x3  }
0x34: {  	[smem:$0x3FB8] =	sst s10  }
0x35: {  	s10 =	sld [smem:$0x3FB7];
	_ =	sdelay $0x3  }
0x36: {  	p1 =	seq.s32 s10, $0x1;
	s10 =	sld [smem:$0x3FB8];
	_ =	sdelay $0x3  }
0x37: {  	[smem:$0x3FB8] =	sst s10  }
0x38: {  	s10 =	sld [smem:$0x3FB9]  }
0x39: {  	_ = 	snop;
	(pc) =	sbr.ind lr, $3  }
0x3a: {  	_ = 	snop  }
0x3b: {  	_ = 	snop  }
0x3c: {  	p2 =	seq.s32 s10, $0x1;
	s10 =	sld [smem:$0x3FB8]  }
0x3d: {  	_ =	shalt  }
0x3e: {  	_ =	shalt  }
0x3f: {  	_ =	shalt  }
0x40: {  	_ =	shalt  }
0x41: {  	_ =	shalt  }
0x42: {  	_ =	shalt  }
0x43: {  	_ =	shalt  }
0x44: {  	_ =	shalt  }
0x45: {  	_ =	shalt  }
0x46: {  	_ =	shalt  }
0x47: {  	_ =	shalt  }
0x48: {  	_ =	shalt  }
0x49: {  	_ =	shalt  }
0x4a: {  	_ =	shalt  }
0x4b: {  	_ =	shalt  }
0x4c: {  	_ =	shalt  }
0x4d: {  	_ =	shalt  }
0x4e: {  	_ =	shalt  }
0x4f: {  	_ =	shalt  }
0x50: {  	_ =	shalt  }
0x51: {  	_ =	shalt  }
0x52: {  	_ =	shalt  }
0x53: {  	_ =	shalt  }
0x54: {  	_ =	shalt  }
0x55: {  	_ =	shalt  }
0x56: {  	_ =	shalt  }
0x57: {  	_ =	shalt  }
0x58: {  	_ =	shalt  }
0x59: {  	_ =	shalt  }
0x5a: {  	_ =	shalt  }
0x5b: {  	_ =	shalt  }
0x5c: {  	_ =	shalt  }
0x5d: {  	_ =	shalt  }
0x5e: {  	_ =	shalt  }
0x5f: {  	_ =	shalt  }
0x60: {  	_ =	shalt  }
0x61: {  	_ =	shalt  }
0x62: {  	_ =	shalt  }
0x63: {  	_ =	shalt  }
0x64: {  	_ =	shalt  }
0x65: {  	_ =	shalt  }
0x66: {  	_ =	shalt  }
0x67: {  	_ =	shalt  }
0x68: {  	_ =	shalt  }
0x69: {  	_ =	shalt  }
0x6a: {  	_ =	shalt  }
0x6b: {  	_ =	shalt  }
0x6c: {  	_ =	shalt  }
0x6d: {  	_ =	shalt  }
0x6e: {  	_ =	shalt  }
0x6f: {  	_ =	shalt  }
0x70: {  	_ =	shalt  }
0x71: {  	_ =	shalt  }
0x72: {  	_ =	shalt  }
0x73: {  	_ =	shalt  }
0x74: {  	_ =	shalt  }
0x75: {  	_ =	shalt  }
0x76: {  	_ =	shalt  }
0x77: {  	_ =	shalt  }
0x78: {  	_ =	shalt  }
0x79: {  	_ =	shalt  }
0x7a: {  	_ =	shalt  }
0x7b: {  	_ =	shalt  }
0x7c: {  	_ =	shalt  }
0x7d: {  	_ =	shalt  }
0x7e: {  	_ =	shalt  }
0x7f: {  	_ =	shalt  }
0x80: {  	_ =	shalt  }
0x81: {  	_ =	shalt  }
0x82: {  	_ =	shalt  }
0x83: {  	_ =	shalt  }
0x84: {  	_ =	shalt  }
0x85: {  	_ =	shalt  }
0x86: {  	_ =	shalt  }
0x87: {  	_ =	shalt  }
.Lfunc_end0:
.L_simem_size_0:
called_computation_lowered:
.L_overlay_start_0:
0x88: {  	s2 =	sld [smem:$0x3FD9]  }
0x89: {  	s3 =	sld [smem:$0x3FFE];
	_ =	sdelay $0x1  }
0x8a: {  	s1 =	srdreg.scid  }
0x8b: {  	s0 =	sand.u32 $0x1, s1  }
0x8c: {  	s18 =	sshll.u32 s0, $0xA;
	s2 =	sadd.s32 s3, s2  }
0x8d: {  	s2 =	sadd.s32 s2, s18  }
0x8e: {  	[smem:$0x3FC4] =	sst s2  }
0x8f: {  	_ = 	snop  }
0x90: {  	s2 =	sld [smem:$0x3FC9]  }
0x91: {  	s19 =	sld [smem:$0x3FC8]  }
0x92: {  	s4 =	sld [smem:$0x3FC7]  }
0x93: {  	s5 =	sld [smem:$0x3FC6]  }
0x94: {  	s6 =	sld [smem:$0x3FD0];
	(tm) =	ssettm $0x1  }
0x95: {  	s7 =	sld [smem:$0x3FFB];
	_ =	sdelay $0x3  }
0x96: {  	_ =	strace s7  }
0x97: {  	s7 =	sld [smem:$0x3FFC];
	_ =	sdelay $0x3  }
0x98: {  	_ =	strace s7  }
0x99: {  	s7 =	sld [smem:$0x3FFD];
	_ =	sdelay $0x3  }
0x9a: {  	_ =	strace s7  }
0x9b: {  	_ =	strace $0x8FFFFFFF  }
0x9c: {  	s20 =	sld [smem:$0x3FDB];
	_ =	sdelay $0x1  }
0x9d: {  	s8 =	simm.s32 $_scs_section_size  }
0x9e: {  	s9 =	simm.s32 $_size__tile_overlayer_lowered;
	s10 =	simm.s32 $_tile_overlayer_lowered  }
0x9f: {  	s23 =	simm.s32 $0x1BFF;
	s22 =	sshll.u32 s10, $0x1;
	s7 =	sadd.s32 s8, s20  }
0xa0: {  	s11 =	simm.s32 $0x0;
	s21 =	sshll.u32 s9, $0x1;
	s9 =	sadd.s32 s22, s7  }
0xa1: {  	[timem:s11], [sflag:s23] =	dma.local [hbm:s9], s21  }
0xa2: {  	_ =	swait.ge [sflag:s23], s21  }
0xa3: {  	s8 =	ssub.s32 $0x0, s21;
	[sflag:s23] =	ssyncset.done $0x0  }
0xa4: {  	[sflag:s23] =	ssyncadd.s32 s8;
	_ =	sdelay $0x1  }
0xa5: {  	s24 =	simm.s32 $0x1B8B  }
0xa6: {  	_ =	swait.ge [sflag:s24], $0x1  }
0xa7: {  	[sflag:s24] =	ssyncset.done $0x0  }
0xa8: {  	s25 =	simm.s32 $0x1B8E;
	[sflag:s24] =	ssyncadd.s32 $0xFFFFFFFF  }
0xa9: {  	s26 =	simm.s32 $execute0_lowered;
	[smem:$0x3FD2] =	sst s25  }
0xaa: {  	s8 =	sshll.u32 s26, $0x1;
	_ =	strace $0x80000046;
	[dreg:$0x1] =	wrdreg $0xFFFFFFFF  }
0xab: {  	s28 =	simm.s32 $_size_execute0_lowered;
	s7 =	sadd.s32 s7, s8;
	[dreg:$0x0] =	wrdreg $0x0  }
0xac: {  	s8 =	sshll.u32 s28, $0x1;
	[dreg:$0x2] =	wrdreg s7  }
0xad: {  	[dreg:$0x3] =	wrdreg s8  }
0xae: {  	[dreg:$0x4] =	wrdreg $0xC0  }
0xaf: {  	_ =	task [dreg:s11], $0x5FFFF  }
0xb0: {  	[dreg:$0x1] =	wrdreg $0xFFFFFFFF  }
0xb1: {  	[dreg:$0x0] =	wrdreg $0x60  }
0xb2: {  	[dreg:$0x2] =	wrdreg s2  }
0xb3: {  	[dreg:$0x3] =	wrdreg s19  }
0xb4: {  	[dreg:$0x4] =	wrdreg s4  }
0xb5: {  	[dreg:$0x5] =	wrdreg s5  }
0xb6: {  	[dreg:$0x6] =	wrdreg s6  }
0xb7: {  	[dreg:$0x7] =	wrdreg $0x9  }
0xb8: {  	_ =	task.clear_ibuf [dreg:s11], $0x8FFFF;
	_ =	strace $0x90000046  }
0xb9: {  	s29 =	simm.s32 $0x9;
	_ =	strace $0x80000048  }
0xba: {  	_ =	swait.ge [sflag:s29], $0x1  }
0xbb: {  	[sflag:s29] =	ssyncadd.s32 $0xFFFFFFFF  }
0xbc: {  	_ =	strace $0x90000048  }
0xbd: {  	_ =	sfence  }
0xbe: {  	s30 =	sld [smem:$0x0];
	_ =	sdelay $0x2  }
0xbf: {  	s31 =	sshll.u32 s1, $0xD;
	s1 =	sshrl.u32 s1, $0x2  }
0xc0: {  	s3 =	sand.u32 $0x4000, s31;
	s1 =	sadd.s32 s1, s30  }
0xc1: {  	s0 =	sor.u32 s3, s0;
	s1 =	sshll.u32 s1, $0x11  }
0xc2: {  	s0 =	sor.u32 s1, s0  }
0xc3: {  	s0 =	sadd.s32 $0x8F2B, s0  }
0xc4: {  	[sflag:s0] =	ssyncadd.remote.s32 $0x1  }
0xc5: {  	_ =	sfence.sel $0xFFFF  }
0xc6: {  	[dreg:$0x0] =	wrdreg $0xFFFFFFFF;
	(pc) =	sbr.abs _section_cstart, $3  }
0xc7: {  	[dreg:$0x1] =	wrdreg $0xFFFFFFFF  }
0xc8: {  	_ =	task.clear_ibuf [dreg:s11], $0x2FFFF;
	_ =	strace $0x9FFFFFFF  }
0xc9: {  	(tm) =	ssettm $0x7FFFFFFF  }
tec
execute0_lowered:
.L_overlay_start_1:
0x0: {  	(tag) =	ssettag $0x1  }
0x1: {  	s1 =	rddreg [dreg:$0x0]  }
0x2: {  	s2 =	rddreg [dreg:$0x1]  }
0x3: {  	s3 =	rddreg [dreg:$0x2]  }
0x4: {  	s4 =	rddreg [dreg:$0x3]  }
0x5: {  	s5 =	rddreg [dreg:$0x4]  }
0x6: {  	s6 =	srdreg.scid;
	s0 =	rddreg [dreg:$0x5];
	s7 =	simm.s32 $0x0  }
0x7: {  	s12 =	simm.s32 $0x4000;
	s13 =	simm.s32 $0x6000;
	s14 =	simm.s32 $0x1  }
0x8: {  	s15 =	simm.s32 $0x2;
	s16 =	simm.s32 $0x0;
	s8 =	sand.u32 $0x1, s6  }
0x9: {  	s6 =	stileid.u32;
	[smem:$0x7FF] =	sst s7;
	s9 =	ssub.s32 $0x2, s8  }
0xa: {  	s11 =	sshll.u32 s6, $0x1;
	_ =	strace $0x80000047;
	s10 =	sshrl.u32 s9, $0x1  }
0xb: {  	s8 =	sor.u32 s8, s11;
	s11 =	simm.s32 $0x2000;
	s9 =	ssub.s32 s9, s10  }
0xc: {  	s8 =	smul.u32 $0x1E848, s8;
	s10 =	simm.s32 $0x3;
	s9 =	smax.u32 s9, $0x1  }
.LBB2_1:
0xd: {  	s17 =	simm.s32 $0x0  }
.LBB2_2:
0xe: {  	s18 =	sshll.u32 s17, $0xD  }
0xf: {  	s18 =	smin.u32 s18, $0x1C848  }
0x10: {  	s18 =	sadd.s32 s8, s18  }
0x11: {  	s18 =	sshrl.u32 s18, $0x3  }
0x12: {  	s19 =	sadd.s32 s3, s18  }
0x13: {  	[tilespmem:s7], [sflag:$0x3] =	stream.linear.gather [hbm4b:s19+s7], $0x2000, $0x38;
	[tilespmem:$0x8000] =	vst v63  }
0x14: {  	_ =	swait.ge [sflag:s10], $0x2000  }
0x15: {  	[sflag:s10] =	ssyncset.done $0x0  }
0x16: {  	s31 =	sadd.s32 s4, s18;
	[sflag:s10] =	ssyncadd.s32 $0xFFFFE000  }
0x17: {  	[tilespmem:s11], [sflag:$0x3] =	stream.linear.gather [hbm4b:s31+s7], $0x2000, $0x38;
	[tilespmem:$0x8000] =	vst v63  }
0x18: {  	_ =	swait.ge [sflag:s10], $0x2000  }
0x19: {  	[sflag:s10] =	ssyncset.done $0x0  }
0x1a: {  	[sflag:s10] =	ssyncadd.s32 $0xFFFFE000  }
0x1b: {  	[tilespmem:s12], [sflag:$0x1] =	stream.indirect.gather [hbm4b:s1+s11], $0x1, s7, s11, $0xb8;
	[tilespmem:$0x8000] =	vst v63  }
0x1c: {  	_ = 	snop  }
0x1d: {  	[tilespmem:s13], [sflag:$0x2] =	stream.indirect.gather [hbm4b:s2+s11], $0x1, s11, s11, $0xb8;
	[tilespmem:$0x8000] =	vst v63  }
0x1e: {  	_ =	swait.ge [sflag:s14], $0x2000  }
0x1f: {  	[sflag:s14] =	ssyncset.done $0x0  }
0x20: {  	[sflag:s14] =	ssyncadd.s32 $0xFFFFE000  }
0x21: {  	_ =	swait.ge [sflag:s15], $0x2000  }
0x22: {  	[sflag:s15] =	ssyncset.done $0x0  }
0x23: {  	s19 =	simm.s32 $0x4040;
	[sflag:s15] =	ssyncadd.s32 $0xFFFFE000  }
0x24: {  	s20 =	simm.s32 $0x6040;
	v0 =	vld [tilespmem:s19+$0xFFFFFFC0]  }
0x25: {  	v1 =	vld [tilespmem:s20+$0xFFFFFFC0];
	_ =	sdelay $0x4  }
0x26: {  	v0 =	vmul.f32 v1, v0;
	_ =	sdelay $0x1  }
0x27: {  	[tilespmem:s19+$0xFFFFFFC0] =	vst v0;
	v0 =	vld [tilespmem:s19+$0xFFFFFFD0]  }
0x28: {  	v1 =	vld [tilespmem:s20+$0xFFFFFFD0];
	_ =	sdelay $0x4  }
0x29: {  	v0 =	vmul.f32 v1, v0;
	_ =	sdelay $0x1  }
0x2a: {  	[tilespmem:s19+$0xFFFFFFD0] =	vst v0;
	v0 =	vld [tilespmem:s19+$0xFFFFFFE0]  }
0x2b: {  	v1 =	vld [tilespmem:s20+$0xFFFFFFE0];
	_ =	sdelay $0x4  }
0x2c: {  	v0 =	vmul.f32 v1, v0;
	_ =	sdelay $0x1  }
0x2d: {  	[tilespmem:s19+$0xFFFFFFE0] =	vst v0;
	v0 =	vld [tilespmem:s19+$0xFFFFFFF0]  }
0x2e: {  	v1 =	vld [tilespmem:s20+$0xFFFFFFF0];
	_ =	sdelay $0x4  }
0x2f: {  	v0 =	vmul.f32 v1, v0;
	_ =	sdelay $0x1  }
0x30: {  	[tilespmem:s19+$0xFFFFFFF0] =	vst v0;
	v0 =	vld [tilespmem:s19+$0x0]  }
0x31: {  	v1 =	vld [tilespmem:s20+$0x0];
	_ =	sdelay $0x4  }
0x32: {  	v0 =	vmul.f32 v1, v0;
	_ =	sdelay $0x1  }
0x33: {  	[tilespmem:s19+$0x0] =	vst v0;
	v0 =	vld [tilespmem:s19+$0x10]  }
0x34: {  	v1 =	vld [tilespmem:s20+$0x10];
	_ =	sdelay $0x4  }
0x35: {  	v0 =	vmul.f32 v1, v0;
	_ =	sdelay $0x1  }
0x36: {  	[tilespmem:s19+$0x10] =	vst v0;
	v0 =	vld [tilespmem:s19+$0x20]  }
0x37: {  	v1 =	vld [tilespmem:s20+$0x20];
	_ =	sdelay $0x4  }
0x38: {  	v0 =	vmul.f32 v1, v0;
	_ =	sdelay $0x1  }
0x39: {  	[tilespmem:s19+$0x20] =	vst v0;
	v0 =	vld [tilespmem:s19+$0x30]  }
0x3a: {  	v1 =	vld [tilespmem:s20+$0x30];
	_ =	sdelay $0x4  }
0x3b: {  	v0 =	vmul.f32 v1, v0  }
0x3c: {  	s21 =	simm.s32 $0x0;
	s22 =	simm.s32 $0x40C0  }
.LBB2_3:
0x3d: {  	v1 =	vld [tilespmem:s22+$0xFFFFFFC0];
	[tilespmem:s19+$0x30] =	vst v0;
	s20 =	sadd.s32 $0x80, s20;
	s19 =	smov.u32 s22  }
0x3e: {  	s21 =	sadd.s32 $0x8, s21;
	v0 =	vld [tilespmem:s20+$0xFFFFFFC0]  }
0x3f: {  	p0 =	slt.u32 s21, $0x1F8;
	_ =	sdelay $0x3  }
0x40: {  	v0 =	vmul.f32 v0, v1;
	_ =	sdelay $0x1  }
0x41: {  	[tilespmem:s22+$0xFFFFFFC0] =	vst v0;
	v0 =	vld [tilespmem:s22+$0xFFFFFFD0]  }
0x42: {  	v1 =	vld [tilespmem:s20+$0xFFFFFFD0];
	_ =	sdelay $0x4  }
0x43: {  	v0 =	vmul.f32 v1, v0;
	_ =	sdelay $0x1  }
0x44: {  	[tilespmem:s22+$0xFFFFFFD0] =	vst v0;
	v0 =	vld [tilespmem:s22+$0xFFFFFFE0]  }
0x45: {  	v1 =	vld [tilespmem:s20+$0xFFFFFFE0];
	_ =	sdelay $0x4  }
0x46: {  	v0 =	vmul.f32 v1, v0;
	_ =	sdelay $0x1  }
0x47: {  	[tilespmem:s22+$0xFFFFFFE0] =	vst v0;
	v0 =	vld [tilespmem:s22+$0xFFFFFFF0]  }
0x48: {  	v1 =	vld [tilespmem:s20+$0xFFFFFFF0];
	_ =	sdelay $0x4  }
0x49: {  	v0 =	vmul.f32 v1, v0;
	_ =	sdelay $0x1  }
0x4a: {  	[tilespmem:s22+$0xFFFFFFF0] =	vst v0;
	v0 =	vld [tilespmem:s22+$0x0]  }
0x4b: {  	v1 =	vld [tilespmem:s20+$0x0];
	_ =	sdelay $0x4  }
0x4c: {  	v0 =	vmul.f32 v1, v0;
	_ =	sdelay $0x1  }
0x4d: {  	[tilespmem:s22+$0x0] =	vst v0;
	v0 =	vld [tilespmem:s22+$0x10]  }
0x4e: {  	v1 =	vld [tilespmem:s20+$0x10];
	_ =	sdelay $0x4  }
0x4f: {  	v0 =	vmul.f32 v1, v0;
	_ =	sdelay $0x1  }
0x50: {  	[tilespmem:s22+$0x10] =	vst v0;
	v0 =	vld [tilespmem:s22+$0x20]  }
0x51: {  	v1 =	vld [tilespmem:s20+$0x20];
	_ =	sdelay $0x4  }
0x52: {  	v0 =	vmul.f32 v1, v0;
	_ =	sdelay $0x1  }
0x53: {  	[tilespmem:s22+$0x20] =	vst v0;
	v0 =	vld [tilespmem:s22+$0x30]  }
0x54: {  	v1 =	vld [tilespmem:s20+$0x30];
	_ =	sdelay $0x1  }
.Ltmp0:
0x55: {  	(pc) =	sbr.rel @p0 .LBB2_3-.Ltmp0, $3  }
0x56: {  	_ =	sdelay $0x1  }
0x57: {  	v0 =	vmul.f32 v1, v0  }
0x58: {  	s22 =	sadd.s32 $0x80, s22  }
0x59: {  	s17 =	sadd.s32 $0x1, s17  }
0x5a: {  	p0 =	sne.s32 s17, $0x10  }
.Ltmp1:
0x5b: {  	[tilespmem:s19+$0x30] =	vst v0;
	s18 =	sadd.s32 s5, s18;
	(pc) =	sbr.rel @p0 .LBB2_2-.Ltmp1, $4  }
0x5c: {  	[hbm4b:s18+s7] =	stream.linear.scatter [tilespmem:s12], [sflag:$0x3], $0x2000, $0x38;
	[tilespmem:$0x8000] =	vst v63  }
0x5d: {  	_ =	swait.ge [sflag:s10], $0x2000  }
0x5e: {  	[sflag:s10] =	ssyncset.done $0x0  }
0x5f: {  	[sflag:s10] =	ssyncadd.s32 $0xFFFFE000  }
0x60: {  	s16 =	sadd.s32 $0x1, s16  }
0x61: {  	p0 =	sne.s32 s16, s9  }
.Ltmp2:
0x62: {  	_ = 	snop;
	(pc) =	sbr.rel @p0 .LBB2_1-.Ltmp2, $1  }
0x63: {  	_ =	sdelay $0x3  }
0x64: {  	_ =	sfence.sel $0x180000  }
0x65: {  	[bflag:$0x0] =	sbarrier.arrive $0xFFFF  }
0x66: {  	p0 =	sne.s32 s6, $0x0;
	_ =	strace $0x90000047  }
0x67: {  	s0 =	sadd.s32 @!p0 $0x100000, s0;
	[bflag:$0x2] =	sbarrier.arrive $0xFFFF  }
0x68: {  	[sflag:s0] =	ssyncadd.tile.s32 @!p0 $0x1;
	_ =	shalt  }
.Lfunc_end2:
_tile_overlayer_lowered:
.L_overlay_start_2:
0x69: {  	(tag) =	ssettag $0x2  }
0x6a: {  	s0 =	rddreg [dreg:$0x0];
	s2 =	stileid.u32  }
0x6b: {  	s1 =	rddreg [dreg:$0x1];
	p0 =	sne.s32 s2, $0x0  }
0x6c: {  	s3 =	rddreg [dreg:$0x2];
	[bflag:$0x3] =	sbarrier.arrive $0xFFFF;
	s2 =	simm.s32 @!p0 $0x1C03  }
0x6d: {  	[timem:s3], [sflag:s2] =	dma.local @!p0 [hbm:s0], s1  }
0x6e: {  	s0 =	simm.s32 @!p0 $0x3  }
0x6f: {  	_ =	swait.ge @!p0 [sflag:s0], s1  }
0x70: {  	s1 =	ssub.s32 @!p0 $0x0, s1;
	[sflag:s0] =	ssyncset.done @!p0 $0x0  }
0x71: {  	[sflag:s0] =	ssyncadd.s32 @!p0 s1  }
0x72: {  	[bflag:$0x3] =	sbarrier.arrive $0xFFFF  }
0x73: {  	_ =	shalt  }

</sc_bundles>
